<compile_context>
chip_gen: v7x
topology: tpu7x:2x2x1
jax: 0.10.2.dev20260603
libtpu: 0.0.44.dev20260713+nightly
codegen_flags: <defaults>
</compile_context>

<pallas_src>
import jax
import jax.numpy as jnp
from jax import lax
from jax.experimental import pallas as pl
from jax.experimental.pallas import tpu as pltpu
from jax.experimental.pallas import tpu_sc as plsc

B, T, D = 4096, 200, 128
NC, NS = 2, 16
NW = NC * NS
BPW = B // NW
LANES = 16
NG = BPW // LANES
NCH = 2
TCHS = (96, 104)
TOFF = (0, 96)
HALF = BPW // 2


def _sc_body(x_hbm, maskT_hbm, out_hbm,
             mb0, mb1, idx_a, idx_b, rows_a, rows_b,
             sm0, sm1, sg, so):
    wid = lax.axis_index("s") * NC + lax.axis_index("c")
    base = wid * BPW
    bufs = (mb0, mb1)
    sems = (sm0, sm1)

    def start(c):
        return pltpu.async_copy(
            maskT_hbm.at[0, pl.ds(TOFF[c], TCHS[c]), pl.ds(base, BPW)],
            bufs[c], sems[c])

    cps = [start(0), start(1)]
    lane = lax.iota(jnp.int32, LANES)
    accs = (jnp.zeros((LANES,), jnp.int32),) * NG

    for c in range(NCH):
        cps[c].wait()
        buf = bufs[c]

        def t_body(t, a):
            return tuple(
                acc + buf[t, pl.ds(g * LANES, LANES)]
                for g, acc in enumerate(a)
            )

        accs = lax.fori_loop(0, TCHS[c], t_body, accs)

    for g in range(NG):
        s = accs[g]
        row = jnp.where(s == 0, T - 1, s - 1)
        flat = (base + g * LANES + lane) * T + row
        if g < NG // 2:
            idx_a[pl.ds(g * LANES, LANES)] = flat
        else:
            idx_b[pl.ds((g - NG // 2) * LANES, LANES)] = flat

    pltpu.async_copy(x_hbm.at[idx_a], rows_a, sg).wait()
    co_a = pltpu.async_copy(rows_a, out_hbm.at[pl.ds(base, HALF)], so)
    pltpu.async_copy(x_hbm.at[idx_b], rows_b, sg).wait()
    co_b = pltpu.async_copy(rows_b, out_hbm.at[pl.ds(base + HALF, HALF)], so)
    co_a.wait()
    co_b.wait()


def kernel(x, dim, mask):
    del dim
    maskT = jnp.transpose(mask, (1, 2, 0))
    mesh = plsc.VectorSubcoreMesh(core_axis_name="c", subcore_axis_name="s")
    run = pl.kernel(
        _sc_body,
        out_type=jax.ShapeDtypeStruct((B, D), jnp.float32),
        mesh=mesh,
        scratch_types=[
            pltpu.VMEM((TCHS[0], BPW), jnp.int32),
            pltpu.VMEM((TCHS[1], BPW), jnp.int32),
            pltpu.VMEM((HALF,), jnp.int32),
            pltpu.VMEM((HALF,), jnp.int32),
            pltpu.VMEM((HALF, D), jnp.float32),
            pltpu.VMEM((HALF, D), jnp.float32),
            pltpu.SemaphoreType.DMA,
            pltpu.SemaphoreType.DMA,
            pltpu.SemaphoreType.DMA,
            pltpu.SemaphoreType.DMA,
        ],
    )
    out = run(x.reshape(B * T, D), maskT)
    return out.reshape(B, 1, D)

# --- scband reference (transcript-rebuilt; emitter-appended) ---
"""Pipeline reference for scband-mask-select-aggr-27419071217869 (READ-ONLY COPY).

The authoritative reference and input builder live on the scoring server;
editing this copy changes nothing except your own understanding.
"""

import jax, jax.numpy as jnp
import numpy as np


def setup_inputs(seed: int = 0) -> dict:
    key = jax.random.key(seed)
    k1, k2 = jax.random.split(key)
    x = jax.random.normal(k1, (4096, 200, 128), dtype=jnp.float32)
    mask = jax.random.randint(k2, (4096, 1, 200), 0, 2, dtype=jnp.int32)
    return {"x": x, "dim": 1, "mask": mask}


def reference(x, dim, mask):
    # rv_lens = mask.squeeze(1).sum(dim=1) - 1
    rv_lens = jnp.sum(jnp.squeeze(mask, axis=1), axis=1) - 1  # [B]
    # torch.gather(x, 1, rv_lens.view(-1,1).unsqueeze(2).repeat(1,1,D))
    idx = rv_lens.reshape(-1, 1, 1)  # [B,1,1]
    idx = jnp.broadcast_to(idx, (x.shape[0], 1, x.shape[2]))  # [B,1,D]
    rv = jnp.take_along_axis(x, idx, axis=1)  # [B,1,D]
    return rv

if __name__ == "__main__":
    import jax
    _d = setup_inputs()
    print(jax.jit(kernel)(*tuple(_d.values())))

</pallas_src>

<mosaic_0001>
#map = affine_map<(d0, d1) -> (0, 0)>
#map1 = affine_map<(d0, d1) -> (0, 0, 0)>
module attributes {stable_mosaic.version = 14 : i64} {
  func.func @_sc_body(%arg0: i32, %arg1: i32, %arg2: memref<819200x128xf32, #tpu.memory_space<hbm>>, %arg3: memref<1x200x4096xi32, #tpu.memory_space<hbm>>, %arg4: memref<4096x128xf32, #tpu.memory_space<hbm>>, %arg5: memref<96x128xi32, #tpu.memory_space<vmem>>, %arg6: memref<104x128xi32, #tpu.memory_space<vmem>>, %arg7: memref<64xi32, #tpu.memory_space<vmem>>, %arg8: memref<64xi32, #tpu.memory_space<vmem>>, %arg9: memref<64x128xf32, #tpu.memory_space<vmem>>, %arg10: memref<64x128xf32, #tpu.memory_space<vmem>>, %arg11: memref<!tpu.dma_semaphore, #tpu.memory_space<semaphore_mem>>, %arg12: memref<!tpu.dma_semaphore, #tpu.memory_space<semaphore_mem>>, %arg13: memref<!tpu.dma_semaphore, #tpu.memory_space<semaphore_mem>>, %arg14: memref<!tpu.dma_semaphore, #tpu.memory_space<semaphore_mem>>) attributes {dimension_semantics = [#tpu.dimension_semantics<core_parallel>, #tpu.dimension_semantics<subcore_parallel>], iteration_bounds = array<i64: 2, 16>, scalar_prefetch = 0 : i64, scratch_operands = 10 : i64, tpu.core_type = #tpu.core_type<sc_vector_subcore>, window_params = [{transform_indices = #map}, {transform_indices = #map1}, {transform_indices = #map}]} {
    %mul3A = arith.constant 2 : i32
    %mul3A_0 = arith.muli %arg1, %mul3A : i32
    %add3A = arith.addi %mul3A_0, %arg0 : i32
    %mul3A_1 = arith.constant 128 : i32
    %mul3A_2 = arith.muli %add3A, %mul3A_1 : i32
    %dma_start3A = arith.constant 0 : i32
    %dma_start3A_3 = arith.constant 0 : i32
    %dma_start3A_4 = tpu.memref_slice %arg3[%dma_start3A, %dma_start3A_3, %mul3A_2] : memref<1x200x4096xi32, #tpu.memory_space<hbm>> -> memref<1x96x128xi32, #tpu.memory_space<hbm>>
    %dma_start3A_5 = tpu.memref_squeeze %dma_start3A_4 : memref<1x96x128xi32, #tpu.memory_space<hbm>> -> memref<96x128xi32, #tpu.memory_space<hbm>>
    %dma_start3A_6 = arith.constant 0 : i32
    %dma_start3A_7 = tpu.memref_slice %arg3[%dma_start3A, %dma_start3A_6, %mul3A_2] : memref<1x200x4096xi32, #tpu.memory_space<hbm>> -> memref<1x96x128xi32, #tpu.memory_space<hbm>>
    %dma_start3A_8 = tpu.memref_squeeze %dma_start3A_7 : memref<1x96x128xi32, #tpu.memory_space<hbm>> -> memref<96x128xi32, #tpu.memory_space<hbm>>
    tpu.enqueue_dma source(%dma_start3A_8 : memref<96x128xi32, #tpu.memory_space<hbm>>) target(%arg5 : memref<96x128xi32, #tpu.memory_space<vmem>>) target_semaphore(%arg11 : memref<!tpu.dma_semaphore, #tpu.memory_space<semaphore_mem>>)
    %dma_start3A_9 = arith.constant 0 : i32
    %dma_start3A_10 = arith.constant 96 : i32
    %dma_start3A_11 = tpu.memref_slice %arg3[%dma_start3A_9, %dma_start3A_10, %mul3A_2] : memref<1x200x4096xi32, #tpu.memory_space<hbm>> -> memref<1x104x128xi32, #tpu.memory_space<hbm>>
    %dma_start3A_12 = tpu.memref_squeeze %dma_start3A_11 : memref<1x104x128xi32, #tpu.memory_space<hbm>> -> memref<104x128xi32, #tpu.memory_space<hbm>>
    %dma_start3A_13 = arith.constant 96 : i32
    %dma_start3A_14 = tpu.memref_slice %arg3[%dma_start3A_9, %dma_start3A_13, %mul3A_2] : memref<1x200x4096xi32, #tpu.memory_space<hbm>> -> memref<1x104x128xi32, #tpu.memory_space<hbm>>
    %dma_start3A_15 = tpu.memref_squeeze %dma_start3A_14 : memref<1x104x128xi32, #tpu.memory_space<hbm>> -> memref<104x128xi32, #tpu.memory_space<hbm>>
    tpu.enqueue_dma source(%dma_start3A_15 : memref<104x128xi32, #tpu.memory_space<hbm>>) target(%arg6 : memref<104x128xi32, #tpu.memory_space<vmem>>) target_semaphore(%arg12 : memref<!tpu.dma_semaphore, #tpu.memory_space<semaphore_mem>>)
    %iota3A = tpu.iota {dimensions = array<i32: 0>} : vector<16xi32>
    %broadcast_in_dim3A = arith.constant 0 : i32
    %broadcast_in_dim3A_16 = vector.broadcast %broadcast_in_dim3A : i32 to vector<16xi32>
    %dma_wait3A = arith.constant 0 : i32
    %dma_wait3A_17 = arith.constant 0 : i32
    %dma_wait3A_18 = tpu.memref_slice %arg3[%dma_wait3A, %dma_wait3A_17, %mul3A_2] : memref<1x200x4096xi32, #tpu.memory_space<hbm>> -> memref<1x96x128xi32, #tpu.memory_space<hbm>>
    %dma_wait3A_19 = tpu.memref_squeeze %dma_wait3A_18 : memref<1x96x128xi32, #tpu.memory_space<hbm>> -> memref<96x128xi32, #tpu.memory_space<hbm>>
    %dma_wait3A_20 = arith.constant 0 : i32
    %dma_wait3A_21 = tpu.memref_slice %arg3[%dma_wait3A, %dma_wait3A_20, %mul3A_2] : memref<1x200x4096xi32, #tpu.memory_space<hbm>> -> memref<1x96x128xi32, #tpu.memory_space<hbm>>
    %dma_wait3A_22 = tpu.memref_squeeze %dma_wait3A_21 : memref<1x96x128xi32, #tpu.memory_space<hbm>> -> memref<96x128xi32, #tpu.memory_space<hbm>>
    tpu.wait_dma2 semaphore(%arg11 : memref<!tpu.dma_semaphore, #tpu.memory_space<semaphore_mem>>) src(%dma_wait3A_22 : memref<96x128xi32, #tpu.memory_space<hbm>>) dst(%arg5 : memref<96x128xi32, #tpu.memory_space<vmem>>)
    %scan3A = arith.constant 0 : i32
    %scan3A_23 = arith.constant 96 : i32
    %scan3A_24 = arith.addi %scan3A, %scan3A_23 : i32
    %scan3A_25 = arith.constant 1 : i32
    %scan3A_26:8 = scf.for %scan3A_234 = %scan3A to %scan3A_24 step %scan3A_25 iter_args(%scan3A_235 = %broadcast_in_dim3A_16, %scan3A_236 = %broadcast_in_dim3A_16, %scan3A_237 = %broadcast_in_dim3A_16, %scan3A_238 = %broadcast_in_dim3A_16, %scan3A_239 = %broadcast_in_dim3A_16, %scan3A_240 = %broadcast_in_dim3A_16, %scan3A_241 = %broadcast_in_dim3A_16, %scan3A_242 = %broadcast_in_dim3A_16) -> (vector<16xi32>, vector<16xi32>, vector<16xi32>, vector<16xi32>, vector<16xi32>, vector<16xi32>, vector<16xi32>, vector<16xi32>)  : i32 {
      %get3A = arith.index_cast %scan3A_234 : i32 to index
      %get3A_243 = arith.constant 0 : index
      %get3A_244 = tpu.vector_load %arg5[%get3A, %get3A_243] {strides = array<i32>} : memref<96x128xi32, #tpu.memory_space<vmem>>, vector<1x16xi32>,
      %get3A_245 = vector.shape_cast %get3A_244 : vector<1x16xi32> to vector<16xi32>
      %add3A_246 = arith.addi %scan3A_235, %get3A_245 : vector<16xi32>
      %get3A_247 = arith.index_cast %scan3A_234 : i32 to index
      %get3A_248 = arith.constant 16 : index
      %get3A_249 = tpu.vector_load %arg5[%get3A_247, %get3A_248] {strides = array<i32>} : memref<96x128xi32, #tpu.memory_space<vmem>>, vector<1x16xi32>,
      %get3A_250 = vector.shape_cast %get3A_249 : vector<1x16xi32> to vector<16xi32>
      %add3A_251 = arith.addi %scan3A_236, %get3A_250 : vector<16xi32>
      %get3A_252 = arith.index_cast %scan3A_234 : i32 to index
      %get3A_253 = arith.constant 32 : index
      %get3A_254 = tpu.vector_load %arg5[%get3A_252, %get3A_253] {strides = array<i32>} : memref<96x128xi32, #tpu.memory_space<vmem>>, vector<1x16xi32>,
      %get3A_255 = vector.shape_cast %get3A_254 : vector<1x16xi32> to vector<16xi32>
      %add3A_256 = arith.addi %scan3A_237, %get3A_255 : vector<16xi32>
      %get3A_257 = arith.index_cast %scan3A_234 : i32 to index
      %get3A_258 = arith.constant 48 : index
      %get3A_259 = tpu.vector_load %arg5[%get3A_257, %get3A_258] {strides = array<i32>} : memref<96x128xi32, #tpu.memory_space<vmem>>, vector<1x16xi32>,
      %get3A_260 = vector.shape_cast %get3A_259 : vector<1x16xi32> to vector<16xi32>
      %add3A_261 = arith.addi %scan3A_238, %get3A_260 : vector<16xi32>
      %get3A_262 = arith.index_cast %scan3A_234 : i32 to index
      %get3A_263 = arith.constant 64 : index
      %get3A_264 = tpu.vector_load %arg5[%get3A_262, %get3A_263] {strides = array<i32>} : memref<96x128xi32, #tpu.memory_space<vmem>>, vector<1x16xi32>,
      %get3A_265 = vector.shape_cast %get3A_264 : vector<1x16xi32> to vector<16xi32>
      %add3A_266 = arith.addi %scan3A_239, %get3A_265 : vector<16xi32>
      %get3A_267 = arith.index_cast %scan3A_234 : i32 to index
      %get3A_268 = arith.constant 80 : index
      %get3A_269 = tpu.vector_load %arg5[%get3A_267, %get3A_268] {strides = array<i32>} : memref<96x128xi32, #tpu.memory_space<vmem>>, vector<1x16xi32>,
      %get3A_270 = vector.shape_cast %get3A_269 : vector<1x16xi32> to vector<16xi32>
      %add3A_271 = arith.addi %scan3A_240, %get3A_270 : vector<16xi32>
      %get3A_272 = arith.index_cast %scan3A_234 : i32 to index
      %get3A_273 = arith.constant 96 : index
      %get3A_274 = tpu.vector_load %arg5[%get3A_272, %get3A_273] {strides = array<i32>} : memref<96x128xi32, #tpu.memory_space<vmem>>, vector<1x16xi32>,
      %get3A_275 = vector.shape_cast %get3A_274 : vector<1x16xi32> to vector<16xi32>
      %add3A_276 = arith.addi %scan3A_241, %get3A_275 : vector<16xi32>
      %get3A_277 = arith.index_cast %scan3A_234 : i32 to index
      %get3A_278 = arith.constant 112 : index
      %get3A_279 = tpu.vector_load %arg5[%get3A_277, %get3A_278] {strides = array<i32>} : memref<96x128xi32, #tpu.memory_space<vmem>>, vector<1x16xi32>,
      %get3A_280 = vector.shape_cast %get3A_279 : vector<1x16xi32> to vector<16xi32>
      %add3A_281 = arith.addi %scan3A_242, %get3A_280 : vector<16xi32>
      scf.yield %add3A_246, %add3A_251, %add3A_256, %add3A_261, %add3A_266, %add3A_271, %add3A_276, %add3A_281 : vector<16xi32>, vector<16xi32>, vector<16xi32>, vector<16xi32>, vector<16xi32>, vector<16xi32>, vector<16xi32>, vector<16xi32>
    }
    %scan3A_27 = arith.constant 96 : i32
    %dma_wait3A_28 = arith.constant 0 : i32
    %dma_wait3A_29 = arith.constant 96 : i32
    %dma_wait3A_30 = tpu.memref_slice %arg3[%dma_wait3A_28, %dma_wait3A_29, %mul3A_2] : memref<1x200x4096xi32, #tpu.memory_space<hbm>> -> memref<1x104x128xi32, #tpu.memory_space<hbm>>
    %dma_wait3A_31 = tpu.memref_squeeze %dma_wait3A_30 : memref<1x104x128xi32, #tpu.memory_space<hbm>> -> memref<104x128xi32, #tpu.memory_space<hbm>>
    %dma_wait3A_32 = arith.constant 96 : i32
    %dma_wait3A_33 = tpu.memref_slice %arg3[%dma_wait3A_28, %dma_wait3A_32, %mul3A_2] : memref<1x200x4096xi32, #tpu.memory_space<hbm>> -> memref<1x104x128xi32, #tpu.memory_space<hbm>>
    %dma_wait3A_34 = tpu.memref_squeeze %dma_wait3A_33 : memref<1x104x128xi32, #tpu.memory_space<hbm>> -> memref<104x128xi32, #tpu.memory_space<hbm>>
    tpu.wait_dma2 semaphore(%arg12 : memref<!tpu.dma_semaphore, #tpu.memory_space<semaphore_mem>>) src(%dma_wait3A_34 : memref<104x128xi32, #tpu.memory_space<hbm>>) dst(%arg6 : memref<104x128xi32, #tpu.memory_space<vmem>>)
    %scan3A_35 = arith.constant 0 : i32
    %scan3A_36 = arith.constant 104 : i32
    %scan3A_37 = arith.addi %scan3A_35, %scan3A_36 : i32
    %scan3A_38 = arith.constant 1 : i32
    %scan3A_39:8 = scf.for %scan3A_234 = %scan3A_35 to %scan3A_37 step %scan3A_38 iter_args(%scan3A_235 = %scan3A_26#0, %scan3A_236 = %scan3A_26#1, %scan3A_237 = %scan3A_26#2, %scan3A_238 = %scan3A_26#3, %scan3A_239 = %scan3A_26#4, %scan3A_240 = %scan3A_26#5, %scan3A_241 = %scan3A_26#6, %scan3A_242 = %scan3A_26#7) -> (vector<16xi32>, vector<16xi32>, vector<16xi32>, vector<16xi32>, vector<16xi32>, vector<16xi32>, vector<16xi32>, vector<16xi32>)  : i32 {
      %get3A = arith.index_cast %scan3A_234 : i32 to index
      %get3A_243 = arith.constant 0 : index
      %get3A_244 = tpu.vector_load %arg6[%get3A, %get3A_243] {strides = array<i32>} : memref<104x128xi32, #tpu.memory_space<vmem>>, vector<1x16xi32>,
      %get3A_245 = vector.shape_cast %get3A_244 : vector<1x16xi32> to vector<16xi32>
      %add3A_246 = arith.addi %scan3A_235, %get3A_245 : vector<16xi32>
      %get3A_247 = arith.index_cast %scan3A_234 : i32 to index
      %get3A_248 = arith.constant 16 : index
      %get3A_249 = tpu.vector_load %arg6[%get3A_247, %get3A_248] {strides = array<i32>} : memref<104x128xi32, #tpu.memory_space<vmem>>, vector<1x16xi32>,
      %get3A_250 = vector.shape_cast %get3A_249 : vector<1x16xi32> to vector<16xi32>
      %add3A_251 = arith.addi %scan3A_236, %get3A_250 : vector<16xi32>
      %get3A_252 = arith.index_cast %scan3A_234 : i32 to index
      %get3A_253 = arith.constant 32 : index
      %get3A_254 = tpu.vector_load %arg6[%get3A_252, %get3A_253] {strides = array<i32>} : memref<104x128xi32, #tpu.memory_space<vmem>>, vector<1x16xi32>,
      %get3A_255 = vector.shape_cast %get3A_254 : vector<1x16xi32> to vector<16xi32>
      %add3A_256 = arith.addi %scan3A_237, %get3A_255 : vector<16xi32>
      %get3A_257 = arith.index_cast %scan3A_234 : i32 to index
      %get3A_258 = arith.constant 48 : index
      %get3A_259 = tpu.vector_load %arg6[%get3A_257, %get3A_258] {strides = array<i32>} : memref<104x128xi32, #tpu.memory_space<vmem>>, vector<1x16xi32>,
      %get3A_260 = vector.shape_cast %get3A_259 : vector<1x16xi32> to vector<16xi32>
      %add3A_261 = arith.addi %scan3A_238, %get3A_260 : vector<16xi32>
      %get3A_262 = arith.index_cast %scan3A_234 : i32 to index
      %get3A_263 = arith.constant 64 : index
      %get3A_264 = tpu.vector_load %arg6[%get3A_262, %get3A_263] {strides = array<i32>} : memref<104x128xi32, #tpu.memory_space<vmem>>, vector<1x16xi32>,
      %get3A_265 = vector.shape_cast %get3A_264 : vector<1x16xi32> to vector<16xi32>
      %add3A_266 = arith.addi %scan3A_239, %get3A_265 : vector<16xi32>
      %get3A_267 = arith.index_cast %scan3A_234 : i32 to index
      %get3A_268 = arith.constant 80 : index
      %get3A_269 = tpu.vector_load %arg6[%get3A_267, %get3A_268] {strides = array<i32>} : memref<104x128xi32, #tpu.memory_space<vmem>>, vector<1x16xi32>,
      %get3A_270 = vector.shape_cast %get3A_269 : vector<1x16xi32> to vector<16xi32>
      %add3A_271 = arith.addi %scan3A_240, %get3A_270 : vector<16xi32>
      %get3A_272 = arith.index_cast %scan3A_234 : i32 to index
      %get3A_273 = arith.constant 96 : index
      %get3A_274 = tpu.vector_load %arg6[%get3A_272, %get3A_273] {strides = array<i32>} : memref<104x128xi32, #tpu.memory_space<vmem>>, vector<1x16xi32>,
      %get3A_275 = vector.shape_cast %get3A_274 : vector<1x16xi32> to vector<16xi32>
      %add3A_276 = arith.addi %scan3A_241, %get3A_275 : vector<16xi32>
      %get3A_277 = arith.index_cast %scan3A_234 : i32 to index
      %get3A_278 = arith.constant 112 : index
      %get3A_279 = tpu.vector_load %arg6[%get3A_277, %get3A_278] {strides = array<i32>} : memref<104x128xi32, #tpu.memory_space<vmem>>, vector<1x16xi32>,
      %get3A_280 = vector.shape_cast %get3A_279 : vector<1x16xi32> to vector<16xi32>
      %add3A_281 = arith.addi %scan3A_242, %get3A_280 : vector<16xi32>
      scf.yield %add3A_246, %add3A_251, %add3A_256, %add3A_261, %add3A_266, %add3A_271, %add3A_276, %add3A_281 : vector<16xi32>, vector<16xi32>, vector<16xi32>, vector<16xi32>, vector<16xi32>, vector<16xi32>, vector<16xi32>, vector<16xi32>
    }
    %scan3A_40 = arith.constant 104 : i32
    %eq3A = arith.constant 0 : i32
    %eq3A_41 = vector.broadcast %eq3A : i32 to vector<16xi32>
    %eq3A_42 = arith.cmpi eq, %scan3A_39#0, %eq3A_41 : vector<16xi32>
    %sub3A = arith.constant 1 : i32
    %sub3A_43 = vector.broadcast %sub3A : i32 to vector<16xi32>
    %sub3A_44 = arith.subi %scan3A_39#0, %sub3A_43 : vector<16xi32>
    %jit3A = arith.constant 199 : i32
    %broadcast_in_dim3A_45 = vector.broadcast %jit3A : i32 to vector<16xi32>
    %select_n3A = arith.select %eq3A_42, %broadcast_in_dim3A_45, %sub3A_44 : vector<16xi1>, vector<16xi32>
    %add3A_46 = arith.constant 0 : i32
    %add3A_47 = arith.addi %mul3A_2, %add3A_46 : i32
    %add3A_48 = vector.broadcast %add3A_47 : i32 to vector<16xi32>
    %add3A_49 = arith.addi %add3A_48, %iota3A : vector<16xi32>
    %mul3A_50 = arith.constant 200 : i32
    %mul3A_51 = vector.broadcast %mul3A_50 : i32 to vector<16xi32>
    %mul3A_52 = arith.muli %add3A_49, %mul3A_51 : vector<16xi32>
    %add3A_53 = arith.addi %mul3A_52, %select_n3A : vector<16xi32>
    %swap3A = arith.constant 0 : index
    %swap3A_54 = tpu.vector_load %arg7[%swap3A] {strides = array<i32>} : memref<64xi32, #tpu.memory_space<vmem>>, vector<16xi32>,
    %swap3A_55 = vector.shape_cast %swap3A_54 : vector<16xi32> to vector<16xi32>
    %swap3A_56 = vector.shape_cast %add3A_53 : vector<16xi32> to vector<16xi32>
    tpu.vector_store %arg7[%swap3A], %swap3A_56 {strides = array<i32>} : memref<64xi32, #tpu.memory_space<vmem>>, vector<16xi32>,
    %eq3A_57 = arith.constant 0 : i32
    %eq3A_58 = vector.broadcast %eq3A_57 : i32 to vector<16xi32>
    %eq3A_59 = arith.cmpi eq, %scan3A_39#1, %eq3A_58 : vector<16xi32>
    %sub3A_60 = arith.constant 1 : i32
    %sub3A_61 = vector.broadcast %sub3A_60 : i32 to vector<16xi32>
    %sub3A_62 = arith.subi %scan3A_39#1, %sub3A_61 : vector<16xi32>
    %jit3A_63 = arith.constant 199 : i32
    %broadcast_in_dim3A_64 = vector.broadcast %jit3A_63 : i32 to vector<16xi32>
    %select_n3A_65 = arith.select %eq3A_59, %broadcast_in_dim3A_64, %sub3A_62 : vector<16xi1>, vector<16xi32>
    %add3A_66 = arith.constant 16 : i32
    %add3A_67 = arith.addi %mul3A_2, %add3A_66 : i32
    %add3A_68 = vector.broadcast %add3A_67 : i32 to vector<16xi32>
    %add3A_69 = arith.addi %add3A_68, %iota3A : vector<16xi32>
    %mul3A_70 = arith.constant 200 : i32
    %mul3A_71 = vector.broadcast %mul3A_70 : i32 to vector<16xi32>
    %mul3A_72 = arith.muli %add3A_69, %mul3A_71 : vector<16xi32>
    %add3A_73 = arith.addi %mul3A_72, %select_n3A_65 : vector<16xi32>
    %swap3A_74 = arith.constant 16 : index
    %swap3A_75 = tpu.vector_load %arg7[%swap3A_74] {strides = array<i32>} : memref<64xi32, #tpu.memory_space<vmem>>, vector<16xi32>,
    %swap3A_76 = vector.shape_cast %swap3A_75 : vector<16xi32> to vector<16xi32>
    %swap3A_77 = vector.shape_cast %add3A_73 : vector<16xi32> to vector<16xi32>
    tpu.vector_store %arg7[%swap3A_74], %swap3A_77 {strides = array<i32>} : memref<64xi32, #tpu.memory_space<vmem>>, vector<16xi32>,
    %eq3A_78 = arith.constant 0 : i32
    %eq3A_79 = vector.broadcast %eq3A_78 : i32 to vector<16xi32>
    %eq3A_80 = arith.cmpi eq, %scan3A_39#2, %eq3A_79 : vector<16xi32>
    %sub3A_81 = arith.constant 1 : i32
    %sub3A_82 = vector.broadcast %sub3A_81 : i32 to vector<16xi32>
    %sub3A_83 = arith.subi %scan3A_39#2, %sub3A_82 : vector<16xi32>
    %jit3A_84 = arith.constant 199 : i32
    %broadcast_in_dim3A_85 = vector.broadcast %jit3A_84 : i32 to vector<16xi32>
    %select_n3A_86 = arith.select %eq3A_80, %broadcast_in_dim3A_85, %sub3A_83 : vector<16xi1>, vector<16xi32>
    %add3A_87 = arith.constant 32 : i32
    %add3A_88 = arith.addi %mul3A_2, %add3A_87 : i32
    %add3A_89 = vector.broadcast %add3A_88 : i32 to vector<16xi32>
    %add3A_90 = arith.addi %add3A_89, %iota3A : vector<16xi32>
    %mul3A_91 = arith.constant 200 : i32
    %mul3A_92 = vector.broadcast %mul3A_91 : i32 to vector<16xi32>
    %mul3A_93 = arith.muli %add3A_90, %mul3A_92 : vector<16xi32>
    %add3A_94 = arith.addi %mul3A_93, %select_n3A_86 : vector<16xi32>
    %swap3A_95 = arith.constant 32 : index
    %swap3A_96 = tpu.vector_load %arg7[%swap3A_95] {strides = array<i32>} : memref<64xi32, #tpu.memory_space<vmem>>, vector<16xi32>,
    %swap3A_97 = vector.shape_cast %swap3A_96 : vector<16xi32> to vector<16xi32>
    %swap3A_98 = vector.shape_cast %add3A_94 : vector<16xi32> to vector<16xi32>
    tpu.vector_store %arg7[%swap3A_95], %swap3A_98 {strides = array<i32>} : memref<64xi32, #tpu.memory_space<vmem>>, vector<16xi32>,
    %eq3A_99 = arith.constant 0 : i32
    %eq3A_100 = vector.broadcast %eq3A_99 : i32 to vector<16xi32>
    %eq3A_101 = arith.cmpi eq, %scan3A_39#3, %eq3A_100 : vector<16xi32>
    %sub3A_102 = arith.constant 1 : i32
    %sub3A_103 = vector.broadcast %sub3A_102 : i32 to vector<16xi32>
    %sub3A_104 = arith.subi %scan3A_39#3, %sub3A_103 : vector<16xi32>
    %jit3A_105 = arith.constant 199 : i32
    %broadcast_in_dim3A_106 = vector.broadcast %jit3A_105 : i32 to vector<16xi32>
    %select_n3A_107 = arith.select %eq3A_101, %broadcast_in_dim3A_106, %sub3A_104 : vector<16xi1>, vector<16xi32>
    %add3A_108 = arith.constant 48 : i32
    %add3A_109 = arith.addi %mul3A_2, %add3A_108 : i32
    %add3A_110 = vector.broadcast %add3A_109 : i32 to vector<16xi32>
    %add3A_111 = arith.addi %add3A_110, %iota3A : vector<16xi32>
    %mul3A_112 = arith.constant 200 : i32
    %mul3A_113 = vector.broadcast %mul3A_112 : i32 to vector<16xi32>
    %mul3A_114 = arith.muli %add3A_111, %mul3A_113 : vector<16xi32>
    %add3A_115 = arith.addi %mul3A_114, %select_n3A_107 : vector<16xi32>
    %swap3A_116 = arith.constant 48 : index
    %swap3A_117 = tpu.vector_load %arg7[%swap3A_116] {strides = array<i32>} : memref<64xi32, #tpu.memory_space<vmem>>, vector<16xi32>,
    %swap3A_118 = vector.shape_cast %swap3A_117 : vector<16xi32> to vector<16xi32>
    %swap3A_119 = vector.shape_cast %add3A_115 : vector<16xi32> to vector<16xi32>
    tpu.vector_store %arg7[%swap3A_116], %swap3A_119 {strides = array<i32>} : memref<64xi32, #tpu.memory_space<vmem>>, vector<16xi32>,
    %eq3A_120 = arith.constant 0 : i32
    %eq3A_121 = vector.broadcast %eq3A_120 : i32 to vector<16xi32>
    %eq3A_122 = arith.cmpi eq, %scan3A_39#4, %eq3A_121 : vector<16xi32>
    %sub3A_123 = arith.constant 1 : i32
    %sub3A_124 = vector.broadcast %sub3A_123 : i32 to vector<16xi32>
    %sub3A_125 = arith.subi %scan3A_39#4, %sub3A_124 : vector<16xi32>
    %jit3A_126 = arith.constant 199 : i32
    %broadcast_in_dim3A_127 = vector.broadcast %jit3A_126 : i32 to vector<16xi32>
    %select_n3A_128 = arith.select %eq3A_122, %broadcast_in_dim3A_127, %sub3A_125 : vector<16xi1>, vector<16xi32>
    %add3A_129 = arith.constant 64 : i32
    %add3A_130 = arith.addi %mul3A_2, %add3A_129 : i32
    %add3A_131 = vector.broadcast %add3A_130 : i32 to vector<16xi32>
    %add3A_132 = arith.addi %add3A_131, %iota3A : vector<16xi32>
    %mul3A_133 = arith.constant 200 : i32
    %mul3A_134 = vector.broadcast %mul3A_133 : i32 to vector<16xi32>
    %mul3A_135 = arith.muli %add3A_132, %mul3A_134 : vector<16xi32>
    %add3A_136 = arith.addi %mul3A_135, %select_n3A_128 : vector<16xi32>
    %swap3A_137 = arith.constant 0 : index
    %swap3A_138 = tpu.vector_load %arg8[%swap3A_137] {strides = array<i32>} : memref<64xi32, #tpu.memory_space<vmem>>, vector<16xi32>,
    %swap3A_139 = vector.shape_cast %swap3A_138 : vector<16xi32> to vector<16xi32>
    %swap3A_140 = vector.shape_cast %add3A_136 : vector<16xi32> to vector<16xi32>
    tpu.vector_store %arg8[%swap3A_137], %swap3A_140 {strides = array<i32>} : memref<64xi32, #tpu.memory_space<vmem>>, vector<16xi32>,
    %eq3A_141 = arith.constant 0 : i32
    %eq3A_142 = vector.broadcast %eq3A_141 : i32 to vector<16xi32>
    %eq3A_143 = arith.cmpi eq, %scan3A_39#5, %eq3A_142 : vector<16xi32>
    %sub3A_144 = arith.constant 1 : i32
    %sub3A_145 = vector.broadcast %sub3A_144 : i32 to vector<16xi32>
    %sub3A_146 = arith.subi %scan3A_39#5, %sub3A_145 : vector<16xi32>
    %jit3A_147 = arith.constant 199 : i32
    %broadcast_in_dim3A_148 = vector.broadcast %jit3A_147 : i32 to vector<16xi32>
    %select_n3A_149 = arith.select %eq3A_143, %broadcast_in_dim3A_148, %sub3A_146 : vector<16xi1>, vector<16xi32>
    %add3A_150 = arith.constant 80 : i32
    %add3A_151 = arith.addi %mul3A_2, %add3A_150 : i32
    %add3A_152 = vector.broadcast %add3A_151 : i32 to vector<16xi32>
    %add3A_153 = arith.addi %add3A_152, %iota3A : vector<16xi32>
    %mul3A_154 = arith.constant 200 : i32
    %mul3A_155 = vector.broadcast %mul3A_154 : i32 to vector<16xi32>
    %mul3A_156 = arith.muli %add3A_153, %mul3A_155 : vector<16xi32>
    %add3A_157 = arith.addi %mul3A_156, %select_n3A_149 : vector<16xi32>
    %swap3A_158 = arith.constant 16 : index
    %swap3A_159 = tpu.vector_load %arg8[%swap3A_158] {strides = array<i32>} : memref<64xi32, #tpu.memory_space<vmem>>, vector<16xi32>,
    %swap3A_160 = vector.shape_cast %swap3A_159 : vector<16xi32> to vector<16xi32>
    %swap3A_161 = vector.shape_cast %add3A_157 : vector<16xi32> to vector<16xi32>
    tpu.vector_store %arg8[%swap3A_158], %swap3A_161 {strides = array<i32>} : memref<64xi32, #tpu.memory_space<vmem>>, vector<16xi32>,
    %eq3A_162 = arith.constant 0 : i32
    %eq3A_163 = vector.broadcast %eq3A_162 : i32 to vector<16xi32>
    %eq3A_164 = arith.cmpi eq, %scan3A_39#6, %eq3A_163 : vector<16xi32>
    %sub3A_165 = arith.constant 1 : i32
    %sub3A_166 = vector.broadcast %sub3A_165 : i32 to vector<16xi32>
    %sub3A_167 = arith.subi %scan3A_39#6, %sub3A_166 : vector<16xi32>
    %jit3A_168 = arith.constant 199 : i32
    %broadcast_in_dim3A_169 = vector.broadcast %jit3A_168 : i32 to vector<16xi32>
    %select_n3A_170 = arith.select %eq3A_164, %broadcast_in_dim3A_169, %sub3A_167 : vector<16xi1>, vector<16xi32>
    %add3A_171 = arith.constant 96 : i32
    %add3A_172 = arith.addi %mul3A_2, %add3A_171 : i32
    %add3A_173 = vector.broadcast %add3A_172 : i32 to vector<16xi32>
    %add3A_174 = arith.addi %add3A_173, %iota3A : vector<16xi32>
    %mul3A_175 = arith.constant 200 : i32
    %mul3A_176 = vector.broadcast %mul3A_175 : i32 to vector<16xi32>
    %mul3A_177 = arith.muli %add3A_174, %mul3A_176 : vector<16xi32>
    %add3A_178 = arith.addi %mul3A_177, %select_n3A_170 : vector<16xi32>
    %swap3A_179 = arith.constant 32 : index
    %swap3A_180 = tpu.vector_load %arg8[%swap3A_179] {strides = array<i32>} : memref<64xi32, #tpu.memory_space<vmem>>, vector<16xi32>,
    %swap3A_181 = vector.shape_cast %swap3A_180 : vector<16xi32> to vector<16xi32>
    %swap3A_182 = vector.shape_cast %add3A_178 : vector<16xi32> to vector<16xi32>
    tpu.vector_store %arg8[%swap3A_179], %swap3A_182 {strides = array<i32>} : memref<64xi32, #tpu.memory_space<vmem>>, vector<16xi32>,
    %eq3A_183 = arith.constant 0 : i32
    %eq3A_184 = vector.broadcast %eq3A_183 : i32 to vector<16xi32>
    %eq3A_185 = arith.cmpi eq, %scan3A_39#7, %eq3A_184 : vector<16xi32>
    %sub3A_186 = arith.constant 1 : i32
    %sub3A_187 = vector.broadcast %sub3A_186 : i32 to vector<16xi32>
    %sub3A_188 = arith.subi %scan3A_39#7, %sub3A_187 : vector<16xi32>
    %jit3A_189 = arith.constant 199 : i32
    %broadcast_in_dim3A_190 = vector.broadcast %jit3A_189 : i32 to vector<16xi32>
    %select_n3A_191 = arith.select %eq3A_185, %broadcast_in_dim3A_190, %sub3A_188 : vector<16xi1>, vector<16xi32>
    %add3A_192 = arith.constant 112 : i32
    %add3A_193 = arith.addi %mul3A_2, %add3A_192 : i32
    %add3A_194 = vector.broadcast %add3A_193 : i32 to vector<16xi32>
    %add3A_195 = arith.addi %add3A_194, %iota3A : vector<16xi32>
    %mul3A_196 = arith.constant 200 : i32
    %mul3A_197 = vector.broadcast %mul3A_196 : i32 to vector<16xi32>
    %mul3A_198 = arith.muli %add3A_195, %mul3A_197 : vector<16xi32>
    %add3A_199 = arith.addi %mul3A_198, %select_n3A_191 : vector<16xi32>
    %swap3A_200 = arith.constant 48 : index
    %swap3A_201 = tpu.vector_load %arg8[%swap3A_200] {strides = array<i32>} : memref<64xi32, #tpu.memory_space<vmem>>, vector<16xi32>,
    %swap3A_202 = vector.shape_cast %swap3A_201 : vector<16xi32> to vector<16xi32>
    %swap3A_203 = vector.shape_cast %add3A_199 : vector<16xi32> to vector<16xi32>
    tpu.vector_store %arg8[%swap3A_200], %swap3A_203 {strides = array<i32>} : memref<64xi32, #tpu.memory_space<vmem>>, vector<16xi32>,
    %dma_start3A_204 = arith.constant 0 : i32
    %dma_start3A_205 = arith.constant 0 : i32
    %dma_start3A_206 = tpu.memref_slice %arg2[%dma_start3A_204, %dma_start3A_205] : memref<819200x128xf32, #tpu.memory_space<hbm>> -> memref<819200x128xf32, #tpu.memory_space<hbm>>
    tpu.enqueue_indirect_dma source(%dma_start3A_206 : memref<819200x128xf32, #tpu.memory_space<hbm>>) target(%arg9 : memref<64x128xf32, #tpu.memory_space<vmem>>) offsets(%arg7 : memref<64xi32, #tpu.memory_space<vmem>>) semaphore(%arg13 : memref<!tpu.dma_semaphore, #tpu.memory_space<semaphore_mem>>)
    %dma_wait3A_207 = arith.constant 0 : i32
    %dma_wait3A_208 = arith.constant 0 : i32
    %dma_wait3A_209 = tpu.memref_slice %arg2[%dma_wait3A_207, %dma_wait3A_208] : memref<819200x128xf32, #tpu.memory_space<hbm>> -> memref<819200x128xf32, #tpu.memory_space<hbm>>
    tpu.wait_indirect_dma semaphore(%arg13 : memref<!tpu.dma_semaphore, #tpu.memory_space<semaphore_mem>>) src(%dma_wait3A_209 : memref<819200x128xf32, #tpu.memory_space<hbm>>) dst(%arg9 : memref<64x128xf32, #tpu.memory_space<vmem>>)
    %dma_start3A_210 = arith.constant 0 : i32
    %dma_start3A_211 = tpu.memref_slice %arg4[%mul3A_2, %dma_start3A_210] : memref<4096x128xf32, #tpu.memory_space<hbm>> -> memref<64x128xf32, #tpu.memory_space<hbm>>
    %dma_start3A_212 = arith.constant 0 : i32
    %dma_start3A_213 = tpu.memref_slice %arg4[%mul3A_2, %dma_start3A_212] : memref<4096x128xf32, #tpu.memory_space<hbm>> -> memref<64x128xf32, #tpu.memory_space<hbm>>
    tpu.enqueue_dma source(%arg9 : memref<64x128xf32, #tpu.memory_space<vmem>>) target(%dma_start3A_213 : memref<64x128xf32, #tpu.memory_space<hbm>>) target_semaphore(%arg14 : memref<!tpu.dma_semaphore, #tpu.memory_space<semaphore_mem>>)
    %dma_start3A_214 = arith.constant 0 : i32
    %dma_start3A_215 = arith.constant 0 : i32
    %dma_start3A_216 = tpu.memref_slice %arg2[%dma_start3A_214, %dma_start3A_215] : memref<819200x128xf32, #tpu.memory_space<hbm>> -> memref<819200x128xf32, #tpu.memory_space<hbm>>
    tpu.enqueue_indirect_dma source(%dma_start3A_216 : memref<819200x128xf32, #tpu.memory_space<hbm>>) target(%arg10 : memref<64x128xf32, #tpu.memory_space<vmem>>) offsets(%arg8 : memref<64xi32, #tpu.memory_space<vmem>>) semaphore(%arg13 : memref<!tpu.dma_semaphore, #tpu.memory_space<semaphore_mem>>)
    %dma_wait3A_217 = arith.constant 0 : i32
    %dma_wait3A_218 = arith.constant 0 : i32
    %dma_wait3A_219 = tpu.memref_slice %arg2[%dma_wait3A_217, %dma_wait3A_218] : memref<819200x128xf32, #tpu.memory_space<hbm>> -> memref<819200x128xf32, #tpu.memory_space<hbm>>
    tpu.wait_indirect_dma semaphore(%arg13 : memref<!tpu.dma_semaphore, #tpu.memory_space<semaphore_mem>>) src(%dma_wait3A_219 : memref<819200x128xf32, #tpu.memory_space<hbm>>) dst(%arg10 : memref<64x128xf32, #tpu.memory_space<vmem>>)
    %add3A_220 = arith.constant 64 : i32
    %add3A_221 = arith.addi %mul3A_2, %add3A_220 : i32
    %dma_start3A_222 = arith.constant 0 : i32
    %dma_start3A_223 = tpu.memref_slice %arg4[%add3A_221, %dma_start3A_222] : memref<4096x128xf32, #tpu.memory_space<hbm>> -> memref<64x128xf32, #tpu.memory_space<hbm>>
    %dma_start3A_224 = arith.constant 0 : i32
    %dma_start3A_225 = tpu.memref_slice %arg4[%add3A_221, %dma_start3A_224] : memref<4096x128xf32, #tpu.memory_space<hbm>> -> memref<64x128xf32, #tpu.memory_space<hbm>>
    tpu.enqueue_dma source(%arg10 : memref<64x128xf32, #tpu.memory_space<vmem>>) target(%dma_start3A_225 : memref<64x128xf32, #tpu.memory_space<hbm>>) target_semaphore(%arg14 : memref<!tpu.dma_semaphore, #tpu.memory_space<semaphore_mem>>)
    %dma_wait3A_226 = arith.constant 0 : i32
    %dma_wait3A_227 = tpu.memref_slice %arg4[%mul3A_2, %dma_wait3A_226] : memref<4096x128xf32, #tpu.memory_space<hbm>> -> memref<64x128xf32, #tpu.memory_space<hbm>>
    %dma_wait3A_228 = arith.constant 0 : i32
    %dma_wait3A_229 = tpu.memref_slice %arg4[%mul3A_2, %dma_wait3A_228] : memref<4096x128xf32, #tpu.memory_space<hbm>> -> memref<64x128xf32, #tpu.memory_space<hbm>>
    tpu.wait_dma2 semaphore(%arg14 : memref<!tpu.dma_semaphore, #tpu.memory_space<semaphore_mem>>) src(%arg9 : memref<64x128xf32, #tpu.memory_space<vmem>>) dst(%dma_wait3A_229 : memref<64x128xf32, #tpu.memory_space<hbm>>)
    %dma_wait3A_230 = arith.constant 0 : i32
    %dma_wait3A_231 = tpu.memref_slice %arg4[%add3A_221, %dma_wait3A_230] : memref<4096x128xf32, #tpu.memory_space<hbm>> -> memref<64x128xf32, #tpu.memory_space<hbm>>
    %dma_wait3A_232 = arith.constant 0 : i32
    %dma_wait3A_233 = tpu.memref_slice %arg4[%add3A_221, %dma_wait3A_232] : memref<4096x128xf32, #tpu.memory_space<hbm>> -> memref<64x128xf32, #tpu.memory_space<hbm>>
    tpu.wait_dma2 semaphore(%arg14 : memref<!tpu.dma_semaphore, #tpu.memory_space<semaphore_mem>>) src(%arg10 : memref<64x128xf32, #tpu.memory_space<vmem>>) dst(%dma_wait3A_233 : memref<64x128xf32, #tpu.memory_space<hbm>>)
    return
  }
}

</mosaic_0001>

<sc_bundles>
// kernel: kernel.3.cloned.1.call-start
scs
__scs_entry_jumppad:
0x0: {  	(pc) =	sbr.rel $0x88, $3  }
0x1: {  	(tag) =	ssettag $0x0;
	lr =	simm.s32 $0x1  }
0x2: {  	[smem:$0x3F9F] =	sst lr;
	_ =	strace $0xD0000000  }
0x3: {  	_ = 	snop  }
0x4: {  	_ = 	snop  }
0x5: {  	_ = 	snop  }
0x6: {  	_ = 	snop  }
0x7: {  	_ = 	snop  }
__scs_overlays_trampoline_lowered:
0x8: {  	[smem:$0x3FAE] =	sst s0  }
0x9: {  	[smem:$0x3FAF] =	sst s1  }
0xa: {  	[smem:$0x3FB0] =	sst s2  }
0xb: {  	[smem:$0x3FB1] =	sst s3  }
0xc: {  	[smem:$0x3FB2] =	sst s4  }
0xd: {  	[smem:$0x3FB3] =	sst s5  }
0xe: {  	[smem:$0x3FB4] =	sst s6  }
0xf: {  	[smem:$0x3FB5] =	sst s7  }
0x10: {  	[smem:$0x3FB6] =	sst s8  }
0x11: {  	[smem:$0x3FB7] =	sst s9;
	s0 =	simm.s32 @!p0 $0x0  }
0x12: {  	s1 =	sld [smem:$0x3F9D];
	s0 =	simm.s32 @p0 $0x1  }
0x13: {  	[smem:$0x3FB8] =	sst s0;
	s0 =	simm.s32 @!p1 $0x0  }
0x14: {  	s2 =	sld [smem:$0x3F9C];
	s0 =	simm.s32 @p1 $0x1  }
0x15: {  	[smem:$0x3FB9] =	sst s0;
	s0 =	simm.s32 @!p2 $0x0  }
0x16: {  	s3 =	sld [smem:$0x3FDB];
	s0 =	simm.s32 @p2 $0x1  }
0x17: {  	s4 =	simm.s32 $0x1BF5;
	[smem:$0x3FBB] =	sst s0  }
0x18: {  	s0 =	sld [smem:$0x3F9E];
	_ =	swait.ge [sflag:s4], $0x0  }
0x19: {  	s7 =	sld [smem:$0x3F9F]  }
0x1a: {  	s8 =	sadd.s32 $0xFFFFE003, lr  }
0x1b: {  	s9 =	sadd.s32 $0xFFFFFEF7, lr;
	s5 =	simm.s32 $0xFFFFFFFF;
	p2 =	slt.u32 s8, $0xFFFFF086  }
0x1c: {  	p1 =	slt.u32 s9, $0xF7A;
	s5 =	simm.s32 @!p2 $0x0  }
0x1d: {  	s5 =	simm.s32 @p1 $0x1;
	p0 =	seq.s32 s7, s2  }
0x1e: {  	s7 =	smul.u32 @!p0 $0xF7A, s2;
	p2 =	seq.s32 @!p0 s5, $0x0  }
0x1f: {  	s9 =	smul.u32 $0xF7A, s1;
	s8 =	simm.s32 @!p0 $0x1BF5;
	p2 =	por !p2, p0  }
0x20: {  	[sflag:s8] =	ssyncset.s32 @!p0 $0xFFFFF086;
	s6 =	sadd.s32 @!p0 s3, s7;
	s7 =	simm.s32 @!p0 $0x108  }
0x21: {  	s3 =	sadd.s32 s3, s9;
	s6 =	sadd.s32 @!p0 $0x88, s6;
	s7 =	simm.s32 @p2 $0x1082  }
0x22: {  	[simem:s7], [sflag:s8] =	dma.local @!p0 [hbm:s6], $0xF7A  }
0x23: {  	s9 =	sor.u32 $0xD0000000, s2;
	s6 =	simm.s32 $0x108;
	_ =	swait.ge @!p0 [sflag:s8], $0x0  }
0x24: {  	s3 =	sadd.s32 $0x88, s3;
	s6 =	simm.s32 @!p1 $0x1082;
	[sflag:s4] =	ssyncset.s32 $0xFFFFF086  }
0x25: {  	[simem:s6], [sflag:s4] =	dma.local [hbm:s3], $0xF7A  }
0x26: {  	[smem:$0x3F9F] =	sst s1;
	(tag) =	ssettag s2;
	_ =	strace s9  }
0x27: {  	s1 =	sld [smem:$0x3FAF]  }
0x28: {  	s2 =	sld [smem:$0x3FB0]  }
0x29: {  	s4 =	sld [smem:$0x3FB2]  }
0x2a: {  	p0 =	seq.s32 s5, $0x0;
	s5 =	sld [smem:$0x3FB3]  }
0x2b: {  	s6 =	sld [smem:$0x3FB4]  }
0x2c: {  	s7 =	sld [smem:$0x3FB5]  }
0x2d: {  	s3 =	simm.s32 $0x108;
	s8 =	sld [smem:$0x3FB6]  }
0x2e: {  	s3 =	simm.s32 @!p0 $0x1082;
	s9 =	sld [smem:$0x3FB7]  }
0x2f: {  	lr =	sadd.s32 s0, s3;
	s0 =	sld [smem:$0x3FAE]  }
0x30: {  	s3 =	sld [smem:$0x3FB1]  }
0x31: {  	[smem:$0x3FBA] =	sst s10  }
0x32: {  	s10 =	sld [smem:$0x3FB8];
	_ =	sdelay $0x3  }
0x33: {  	p0 =	seq.s32 s10, $0x1;
	s10 =	sld [smem:$0x3FBA];
	_ =	sdelay $0x3  }
0x34: {  	[smem:$0x3FBA] =	sst s10  }
0x35: {  	s10 =	sld [smem:$0x3FB9];
	_ =	sdelay $0x3  }
0x36: {  	p1 =	seq.s32 s10, $0x1;
	s10 =	sld [smem:$0x3FBA];
	_ =	sdelay $0x3  }
0x37: {  	[smem:$0x3FBA] =	sst s10  }
0x38: {  	s10 =	sld [smem:$0x3FBB]  }
0x39: {  	_ = 	snop;
	(pc) =	sbr.ind lr, $3  }
0x3a: {  	_ = 	snop  }
0x3b: {  	_ = 	snop  }
0x3c: {  	p2 =	seq.s32 s10, $0x1;
	s10 =	sld [smem:$0x3FBA]  }
0x3d: {  	_ =	shalt  }
0x3e: {  	_ =	shalt  }
0x3f: {  	_ =	shalt  }
0x40: {  	_ =	shalt  }
0x41: {  	_ =	shalt  }
0x42: {  	_ =	shalt  }
0x43: {  	_ =	shalt  }
0x44: {  	_ =	shalt  }
0x45: {  	_ =	shalt  }
0x46: {  	_ =	shalt  }
0x47: {  	_ =	shalt  }
0x48: {  	_ =	shalt  }
0x49: {  	_ =	shalt  }
0x4a: {  	_ =	shalt  }
0x4b: {  	_ =	shalt  }
0x4c: {  	_ =	shalt  }
0x4d: {  	_ =	shalt  }
0x4e: {  	_ =	shalt  }
0x4f: {  	_ =	shalt  }
0x50: {  	_ =	shalt  }
0x51: {  	_ =	shalt  }
0x52: {  	_ =	shalt  }
0x53: {  	_ =	shalt  }
0x54: {  	_ =	shalt  }
0x55: {  	_ =	shalt  }
0x56: {  	_ =	shalt  }
0x57: {  	_ =	shalt  }
0x58: {  	_ =	shalt  }
0x59: {  	_ =	shalt  }
0x5a: {  	_ =	shalt  }
0x5b: {  	_ =	shalt  }
0x5c: {  	_ =	shalt  }
0x5d: {  	_ =	shalt  }
0x5e: {  	_ =	shalt  }
0x5f: {  	_ =	shalt  }
0x60: {  	_ =	shalt  }
0x61: {  	_ =	shalt  }
0x62: {  	_ =	shalt  }
0x63: {  	_ =	shalt  }
0x64: {  	_ =	shalt  }
0x65: {  	_ =	shalt  }
0x66: {  	_ =	shalt  }
0x67: {  	_ =	shalt  }
0x68: {  	_ =	shalt  }
0x69: {  	_ =	shalt  }
0x6a: {  	_ =	shalt  }
0x6b: {  	_ =	shalt  }
0x6c: {  	_ =	shalt  }
0x6d: {  	_ =	shalt  }
0x6e: {  	_ =	shalt  }
0x6f: {  	_ =	shalt  }
0x70: {  	_ =	shalt  }
0x71: {  	_ =	shalt  }
0x72: {  	_ =	shalt  }
0x73: {  	_ =	shalt  }
0x74: {  	_ =	shalt  }
0x75: {  	_ =	shalt  }
0x76: {  	_ =	shalt  }
0x77: {  	_ =	shalt  }
0x78: {  	_ =	shalt  }
0x79: {  	_ =	shalt  }
0x7a: {  	_ =	shalt  }
0x7b: {  	_ =	shalt  }
0x7c: {  	_ =	shalt  }
0x7d: {  	_ =	shalt  }
0x7e: {  	_ =	shalt  }
0x7f: {  	_ =	shalt  }
0x80: {  	_ =	shalt  }
0x81: {  	_ =	shalt  }
0x82: {  	_ =	shalt  }
0x83: {  	_ =	shalt  }
0x84: {  	_ =	shalt  }
0x85: {  	_ =	shalt  }
0x86: {  	_ =	shalt  }
0x87: {  	_ =	shalt  }
.Lfunc_end0:
.L_simem_size_0:
called_computation_lowered:
.L_overlay_start_0:
0x88: {  	s2 =	sld [smem:$0x3FD9]  }
0x89: {  	s3 =	sld [smem:$0x3FFE];
	_ =	sdelay $0x1  }
0x8a: {  	s1 =	srdreg.scid  }
0x8b: {  	s0 =	sand.u32 $0x1, s1  }
0x8c: {  	s18 =	sshll.u32 s0, $0xA;
	s2 =	sadd.s32 s3, s2  }
0x8d: {  	s2 =	sadd.s32 s2, s18  }
0x8e: {  	[smem:$0x3FC6] =	sst s2  }
0x8f: {  	_ = 	snop  }
0x90: {  	s2 =	sld [smem:$0x3FC9]  }
0x91: {  	s19 =	sld [smem:$0x3FC8]  }
0x92: {  	s4 =	sld [smem:$0x3FD0];
	(tm) =	ssettm $0x1  }
0x93: {  	s5 =	sld [smem:$0x3FFB];
	_ =	sdelay $0x3  }
0x94: {  	_ =	strace s5  }
0x95: {  	s5 =	sld [smem:$0x3FFC];
	_ =	sdelay $0x3  }
0x96: {  	_ =	strace s5  }
0x97: {  	s5 =	sld [smem:$0x3FFD];
	_ =	sdelay $0x3  }
0x98: {  	_ =	strace s5  }
0x99: {  	_ =	strace $0x8FFFFFFF  }
0x9a: {  	s20 =	sld [smem:$0x3FDB];
	_ =	sdelay $0x1  }
0x9b: {  	s6 =	simm.s32 $_scs_section_size  }
0x9c: {  	s7 =	simm.s32 $_size__tile_overlayer_lowered;
	s8 =	simm.s32 $_tile_overlayer_lowered  }
0x9d: {  	s23 =	simm.s32 $0x1BFF;
	s22 =	sshll.u32 s8, $0x1;
	s5 =	sadd.s32 s6, s20  }
0x9e: {  	s9 =	simm.s32 $0x0;
	s21 =	sshll.u32 s7, $0x1;
	s7 =	sadd.s32 s22, s5  }
0x9f: {  	[timem:s9], [sflag:s23] =	dma.local [hbm:s7], s21  }
0xa0: {  	_ =	swait.ge [sflag:s23], s21  }
0xa1: {  	s6 =	ssub.s32 $0x0, s21;
	[sflag:s23] =	ssyncset.done $0x0  }
0xa2: {  	[sflag:s23] =	ssyncadd.s32 s6;
	_ =	sdelay $0x1  }
0xa3: {  	s24 =	simm.s32 $0x1B8B  }
0xa4: {  	_ =	swait.ge [sflag:s24], $0x1  }
0xa5: {  	[sflag:s24] =	ssyncset.done $0x0  }
0xa6: {  	s25 =	simm.s32 $0x1B8E;
	[sflag:s24] =	ssyncadd.s32 $0xFFFFFFFF  }
0xa7: {  	s26 =	simm.s32 $execute0_lowered;
	[smem:$0x3FD2] =	sst s25  }
0xa8: {  	s6 =	sshll.u32 s26, $0x1;
	_ =	strace $0x80000046;
	[dreg:$0x1] =	wrdreg $0xFFFFFFFF  }
0xa9: {  	s28 =	simm.s32 $_size_execute0_lowered;
	s5 =	sadd.s32 s5, s6;
	[dreg:$0x0] =	wrdreg $0x0  }
0xaa: {  	s6 =	sshll.u32 s28, $0x1;
	[dreg:$0x2] =	wrdreg s5  }
0xab: {  	[dreg:$0x3] =	wrdreg s6  }
0xac: {  	[dreg:$0x4] =	wrdreg $0xC0  }
0xad: {  	_ =	task [dreg:s9], $0x5FFFF  }
0xae: {  	[dreg:$0x1] =	wrdreg $0xFFFFFFFF  }
0xaf: {  	[dreg:$0x0] =	wrdreg $0x60  }
0xb0: {  	[dreg:$0x2] =	wrdreg s2  }
0xb1: {  	[dreg:$0x3] =	wrdreg s19  }
0xb2: {  	[dreg:$0x4] =	wrdreg s4  }
0xb3: {  	[dreg:$0x5] =	wrdreg $0x9  }
0xb4: {  	_ =	task.clear_ibuf [dreg:s9], $0x6FFFF;
	_ =	strace $0x90000046  }
0xb5: {  	s29 =	simm.s32 $0x9;
	_ =	strace $0x80000048  }
0xb6: {  	_ =	swait.ge [sflag:s29], $0x1  }
0xb7: {  	[sflag:s29] =	ssyncadd.s32 $0xFFFFFFFF  }
0xb8: {  	_ =	strace $0x90000048  }
0xb9: {  	_ =	sfence  }
0xba: {  	s30 =	sld [smem:$0x0];
	_ =	sdelay $0x2  }
0xbb: {  	s31 =	sshll.u32 s1, $0xD;
	s1 =	sshrl.u32 s1, $0x2  }
0xbc: {  	s3 =	sand.u32 $0x4000, s31;
	s1 =	sadd.s32 s1, s30  }
0xbd: {  	s0 =	sor.u32 s3, s0;
	s1 =	sshll.u32 s1, $0x11  }
0xbe: {  	s0 =	sor.u32 s1, s0  }
0xbf: {  	s0 =	sadd.s32 $0x8F2B, s0  }
0xc0: {  	[sflag:s0] =	ssyncadd.remote.s32 $0x1  }
0xc1: {  	_ =	sfence.sel $0xFFFF  }
0xc2: {  	[dreg:$0x0] =	wrdreg $0xFFFFFFFF;
	(pc) =	sbr.abs _section_cstart, $3  }
0xc3: {  	[dreg:$0x1] =	wrdreg $0xFFFFFFFF  }
0xc4: {  	_ =	task.clear_ibuf [dreg:s9], $0x2FFFF;
	_ =	strace $0x9FFFFFFF  }
0xc5: {  	(tm) =	ssettm $0x7FFFFFFF  }
tec
execute0_lowered:
.L_overlay_start_1:
0x0: {  	(tag) =	ssettag $0x1  }
0x1: {  	s1 =	srdreg.scid  }
0x2: {  	s0 =	stileid.u32;
	s4 =	sand.u32 $0x1, s1  }
0x3: {  	s2 =	sshll.u32 s0, $0x8;
	s3 =	sshll.u32 s4, $0x7  }
0x4: {  	s5 =	rddreg [dreg:$0x1];
	s6 =	sor.u32 s3, s2  }
0x5: {  	s7 =	rddreg [dreg:$0x2];
	v3 =	vlaneseq.u32;
	s12 =	simm.s32 $0x1;
	s8 =	sor.u32 $0x10, s6;
	v0 =	vmov s6  }
0x6: {  	v7 =	vmul.u32 $0xC8, v3;
	s26 =	sor.u32 $0x20, s6;
	s9 =	sor.u32 $0x30, s6;
	s10 =	sor.u32 $0x40, s6;
	v1 =	vmov s8;
	v0 =	vmul.u32 $0xC8, v0  }
0x7: {  	s29 =	sor.u32 $0x50, s6;
	s30 =	sor.u32 $0x60, s6;
	s11 =	sor.u32 $0x70, s6;
	v2 =	vmov s26;
	v3 =	vmov s9;
	v4 =	vmov s10  }
0x8: {  	s13 =	simm.s32 $0x2;
	s14 =	simm.s32 $0x40;
	s15 =	simm.s32 $0x6400;
	v5 =	vmov s29;
	v6 =	vmov s30;
	v8 =	vmov s11  }
0x9: {  	s16 =	simm.s32 $0x6500;
	s17 =	simm.s32 $0x3;
	s18 =	simm.s32 $0x6480;
	v1 =	vmul.u32 $0xC8, v1;
	v2 =	vmul.u32 $0xC8, v2;
	v3 =	vmul.u32 $0xC8, v3  }
0xa: {  	s19 =	simm.s32 $0x8500;
	s20 =	simm.s32 $0x4;
	s1 =	rddreg [dreg:$0x0];
	v4 =	vmul.u32 $0xC8, v4;
	v5 =	vmul.u32 $0xC8, v5;
	v0 =	vbroadcast v0, $0x0  }
0xb: {  	s4 =	ssub.s32 $0x2, s4;
	s2 =	rddreg [dreg:$0x3];
	s3 =	simm.s32 $0x0;
	v6 =	vmul.u32 $0xC8, v6;
	v1 =	vbroadcast v1, $0x0;
	v2 =	vbroadcast v2, $0x0  }
0xc: {  	s21 =	simm.s32 $0x0;
	s28 =	sshrl.u32 s4, $0x1;
	[smem:$0x7FF] =	sst s3;
	v8 =	vmul.u32 $0xC8, v8;
	v3 =	vbroadcast v3, $0x0;
	v4 =	vbroadcast v4, $0x0  }
0xd: {  	_ =	strace $0x80000047;
	s8 =	ssub.s32 s4, s28;
	s4 =	sadd.s32 s5, s6;
	v5 =	vbroadcast v5, $0x0;
	v6 =	vbroadcast v6, $0x0  }
0xe: {  	s6 =	sshll.u32 s6, $0x4;
	s31 =	sshll.u32 s10, $0x4;
	s9 =	simm.s32 $0x400;
	v8 =	vbroadcast v8, $0x0;
	v0 =	vadd.s32 v7, v0;
	v1 =	vadd.s32 v7, v1  }
0xf: {  	s10 =	simm.s32 $0x8000;
	s11 =	simm.s32 $0x3000;
	s5 =	sadd.s32 $0xC000, s4;
	v2 =	vadd.s32 v7, v2;
	v3 =	vadd.s32 v7, v3;
	v4 =	vadd.s32 v7, v4  }
0x10: {  	s6 =	sadd.s32 s7, s6;
	s7 =	sadd.s32 s7, s31;
	s8 =	smax.u32 s8, $0x1;
	v5 =	vadd.s32 v7, v5;
	v6 =	vadd.s32 v7, v6;
	v7 =	vadd.s32 v7, v8  }
.LBB2_1:
0x11: {  	[tilespmem:s3], [sflag:$0x1] =	stream.strided.gather [hbm4b:s4+s9], $0x3000, s10, s9, $0x38;
	[tilespmem:$0xA500] =	vst v63  }
0x12: {  	_ = 	snop  }
0x13: {  	[tilespmem:s11], [sflag:$0x2] =	stream.strided.gather [hbm4b:s5+s9], $0x3400, s10, s9, $0x38;
	[tilespmem:$0xA500] =	vst v63  }
0x14: {  	_ =	swait.ge [sflag:s12], $0x3000  }
0x15: {  	[sflag:s12] =	ssyncset.done $0x0  }
0x16: {  	s24 =	simm.s32 $0x0;
	[sflag:s12] =	ssyncadd.s32 $0xFFFFD000  }
0x17: {  	v8 =	vld [tilespmem:s24+$0x70]  }
0x18: {  	v9 =	vld [tilespmem:s24+$0x0]  }
0x19: {  	v10 =	vld [tilespmem:s24+$0x10]  }
0x1a: {  	v13 =	vld [tilespmem:s24+$0x20]  }
0x1b: {  	v14 =	vld [tilespmem:s24+$0x30]  }
0x1c: {  	v11 =	vimm.s32 $0x0;
	v12 =	vimm.s32 $0x0;
	v15 =	vld [tilespmem:s24+$0x40]  }
0x1d: {  	v17 =	vimm.s32 $0x0;
	v18 =	vimm.s32 $0x0;
	v16 =	vimm.s32 $0x0;
	v19 =	vld [tilespmem:s24+$0x50]  }
0x1e: {  	s22 =	simm.s32 $0x80;
	s23 =	simm.s32 $0x400;
	v20 =	vld [tilespmem:s24+$0x60];
	v8 =	vadd.s32 v11, v8;
	v9 =	vadd.s32 v11, v9;
	v10 =	vadd.s32 v11, v10  }
.LBB2_2:
0x1f: {  	p0 =	sne.s32 s23, $0xBE00;
	v21 =	vld [tilespmem:s22+$0x70];
	v11 =	vadd.s32 v11, v13  }
0x20: {  	v22 =	vld [tilespmem:s22+$0x0];
	v12 =	vadd.s32 v12, v14  }
0x21: {  	v23 =	vld [tilespmem:s22+$0x10];
	v17 =	vadd.s32 v17, v15  }
.Ltmp0:
0x22: {  	v13 =	vld [tilespmem:s22+$0x20];
	v18 =	vadd.s32 v18, v19;
	(pc) =	sbr.rel @p0 .LBB2_2-.Ltmp0, $4  }
0x23: {  	v14 =	vld [tilespmem:s22+$0x30];
	v16 =	vadd.s32 v16, v20  }
0x24: {  	v15 =	vld [tilespmem:s22+$0x40];
	v8 =	vadd.s32 v8, v21  }
0x25: {  	v9 =	vadd.s32 v9, v22;
	v19 =	vld [tilespmem:s22+$0x50]  }
0x26: {  	v10 =	vadd.s32 v10, v23;
	v20 =	vld [tilespmem:s22+$0x60];
	s22 =	sshra.s32 s23, $0x2;
	s23 =	sadd.s32 $0x200, s23  }
0x27: {  	v21 =	vld [tilespmem:s22+$0x70]  }
0x28: {  	v22 =	vld [tilespmem:s22+$0x0]  }
0x29: {  	v23 =	vld [tilespmem:s22+$0x10]  }
0x2a: {  	v24 =	vld [tilespmem:s22+$0x20]  }
0x2b: {  	v25 =	vld [tilespmem:s22+$0x30]  }
0x2c: {  	v26 =	vld [tilespmem:s22+$0x40]  }
0x2d: {  	v27 =	vld [tilespmem:s22+$0x50]  }
0x2e: {  	v28 =	vld [tilespmem:s22+$0x60];
	_ =	swait.ge [sflag:s13], $0x3400  }
0x2f: {  	[sflag:s13] =	ssyncset.done $0x0  }
0x30: {  	s24 =	simm.s32 $0x0;
	[sflag:s13] =	ssyncadd.s32 $0xFFFFCC00  }
0x31: {  	v29 =	vld [tilespmem:s24+$0x3070]  }
0x32: {  	v30 =	vld [tilespmem:s24+$0x3000]  }
0x33: {  	v11 =	vadd.s32 v11, v13;
	v31 =	vld [tilespmem:s24+$0x3010]  }
0x34: {  	v12 =	vadd.s32 v12, v14;
	v14 =	vadd.s32 v17, v15;
	v15 =	vadd.s32 v18, v19;
	v13 =	vld [tilespmem:s24+$0x3020]  }
0x35: {  	v17 =	vld [tilespmem:s24+$0x3030];
	v16 =	vadd.s32 v16, v20;
	v20 =	vadd.s32 v8, v21;
	v21 =	vadd.s32 v9, v22  }
0x36: {  	v18 =	vld [tilespmem:s24+$0x3040];
	v22 =	vadd.s32 v10, v23;
	v8 =	vadd.s32 v11, v24;
	v9 =	vadd.s32 v12, v25  }
0x37: {  	v19 =	vld [tilespmem:s24+$0x3050];
	v10 =	vadd.s32 v14, v26;
	v11 =	vadd.s32 v15, v27;
	v12 =	vadd.s32 v16, v28  }
0x38: {  	s22 =	simm.s32 $0x80;
	s23 =	simm.s32 $0x400;
	v14 =	vadd.s32 v20, v29;
	v15 =	vadd.s32 v21, v30;
	v16 =	vadd.s32 v22, v31;
	v20 =	vld [tilespmem:s24+$0x3060]  }
.LBB2_4:
0x39: {  	p0 =	sne.s32 s23, $0xCE00;
	v21 =	vld [tilespmem:s22+$0x3070];
	v8 =	vadd.s32 v8, v13  }
0x3a: {  	v22 =	vld [tilespmem:s22+$0x3000];
	v9 =	vadd.s32 v9, v17  }
0x3b: {  	v23 =	vld [tilespmem:s22+$0x3010];
	v10 =	vadd.s32 v10, v18  }
.Ltmp1:
0x3c: {  	v13 =	vld [tilespmem:s22+$0x3020];
	v11 =	vadd.s32 v11, v19;
	(pc) =	sbr.rel @p0 .LBB2_4-.Ltmp1, $4  }
0x3d: {  	v17 =	vld [tilespmem:s22+$0x3030];
	v12 =	vadd.s32 v12, v20  }
0x3e: {  	v18 =	vld [tilespmem:s22+$0x3040];
	v14 =	vadd.s32 v14, v21  }
0x3f: {  	v15 =	vadd.s32 v15, v22;
	v19 =	vld [tilespmem:s22+$0x3050]  }
0x40: {  	v16 =	vadd.s32 v16, v23;
	v20 =	vld [tilespmem:s22+$0x3060];
	s22 =	sshra.s32 s23, $0x2;
	s23 =	sadd.s32 $0x200, s23  }
0x41: {  	v21 =	vld [tilespmem:s22+$0x3070]  }
0x42: {  	v22 =	vld [tilespmem:s22+$0x3000]  }
0x43: {  	v23 =	vld [tilespmem:s22+$0x3010]  }
0x44: {  	v24 =	vld [tilespmem:s22+$0x3020]  }
0x45: {  	v25 =	vld [tilespmem:s22+$0x3030]  }
0x46: {  	v26 =	vld [tilespmem:s22+$0x3040]  }
0x47: {  	v27 =	vld [tilespmem:s22+$0x3050]  }
0x48: {  	v28 =	vld [tilespmem:s22+$0x3060]  }
0x49: {  	v8 =	vadd.s32 v8, v13;
	v9 =	vadd.s32 v9, v17;
	v10 =	vadd.s32 v10, v18  }
0x4a: {  	v11 =	vadd.s32 v11, v19;
	v12 =	vadd.s32 v12, v20;
	v55 =	vadd.s32 v14, v21  }
0x4b: {  	v56 =	vadd.s32 v15, v22;
	v57 =	vadd.s32 v16, v23;
	v8 =	vadd.s32 v8, v24  }
0x4c: {  	v9 =	vadd.s32 v9, v25;
	v10 =	vadd.s32 v10, v26;
	v11 =	vadd.s32 v11, v27  }
0x4d: {  	v12 =	vadd.s32 v12, v28;
	vm0 =	veq.s32 v56, $0x0;
	v14 =	vadd.s32 $0xFFFFFFFF, v56  }
0x4e: {  	vm9 =	veq.s32 v57, $0x0;
	v15 =	vadd.s32 $0xFFFFFFFF, v57;
	vm10 =	veq.s32 v8, $0x0  }
0x4f: {  	v8 =	vadd.s32 $0xFFFFFFFF, v8;
	vm11 =	veq.s32 v9, $0x0;
	v9 =	vadd.s32 $0xFFFFFFFF, v9  }
0x50: {  	vm12 =	veq.s32 v10, $0x0;
	v10 =	vadd.s32 $0xFFFFFFFF, v10;
	v14 =	vsel vm0, $0xC7, v14  }
0x51: {  	vm13 =	veq.s32 v11, $0x0;
	v15 =	vsel vm9, $0xC7, v15;
	v14 =	vadd.s32 v14, v0  }
0x52: {  	v11 =	vadd.s32 $0xFFFFFFFF, v11;
	v8 =	vsel vm10, $0xC7, v8;
	v15 =	vadd.s32 v15, v1;
	[tilespmem:$0x6400] =	vst v14  }
0x53: {  	vm14 =	veq.s32 v12, $0x0;
	v10 =	vsel vm12, $0xC7, v10;
	v8 =	vadd.s32 v8, v2;
	[tilespmem:$0x6410] =	vst v15  }
0x54: {  	v60 =	vadd.s32 $0xFFFFFFFF, v12;
	v9 =	vsel vm11, $0xC7, v9;
	v58 =	vadd.s32 v10, v4;
	[tilespmem:$0x6420] =	vst v8  }
0x55: {  	vm15 =	veq.s32 v55, $0x0;
	v59 =	vsel vm13, $0xC7, v11;
	v8 =	vadd.s32 v9, v3;
	[tilespmem:$0x6480] =	vst v58  }
0x56: {  	v62 =	vadd.s32 $0xFFFFFFFF, v55;
	v61 =	vsel vm14, $0xC7, v60;
	[tilespmem:$0x6430] =	vst v8;
	v8 =	vadd.s32 v59, v5  }
0x57: {  	v63 =	vsel vm15, $0xC7, v62;
	[tilespmem:$0x6490] =	vst v8;
	v8 =	vadd.s32 v61, v6  }
0x58: {  	[tilespmem:$0x64A0] =	vst v8;
	v8 =	vadd.s32 v63, v7  }
0x59: {  	[tilespmem:$0x64B0] =	vst v8  }
0x5a: {  	[tilespmem:s16], [sflag:$0x3] =	stream.indirect.gather [hbm4b:s1+s14], $0x80, s15, s14, $0xb8;
	[tilespmem:$0xA500] =	vst v63  }
0x5b: {  	_ =	swait.ge [sflag:s17], $0x2000  }
0x5c: {  	[sflag:s17] =	ssyncset.done $0x0  }
0x5d: {  	[sflag:s17] =	ssyncadd.s32 $0xFFFFE000  }
0x5e: {  	[hbm4b:s6+s3] =	stream.linear.scatter [tilespmem:s16], [sflag:$0x4], $0x2000, $0x38;
	[tilespmem:$0xA500] =	vst v63  }
0x5f: {  	_ = 	snop  }
0x60: {  	[tilespmem:s19], [sflag:$0x3] =	stream.indirect.gather [hbm4b:s1+s14], $0x80, s18, s14, $0xb8;
	[tilespmem:$0xA500] =	vst v63  }
0x61: {  	_ =	swait.ge [sflag:s17], $0x2000  }
0x62: {  	[sflag:s17] =	ssyncset.done $0x0  }
0x63: {  	s21 =	sadd.s32 $0x1, s21;
	[sflag:s17] =	ssyncadd.s32 $0xFFFFE000  }
0x64: {  	[hbm4b:s7+s3] =	stream.linear.scatter [tilespmem:s19], [sflag:$0x4], $0x2000, $0x38;
	[tilespmem:$0xA500] =	vst v63  }
0x65: {  	p0 =	sne.s32 s21, s8;
	_ =	swait.ge [sflag:s20], $0x2000  }
.Ltmp2:
0x66: {  	[sflag:s20] =	ssyncset.done $0x0;
	(pc) =	sbr.rel @p0 .LBB2_1-.Ltmp2, $4  }
0x67: {  	[sflag:s20] =	ssyncadd.s32 $0xFFFFE000  }
0x68: {  	_ =	swait.ge [sflag:s20], $0x2000  }
0x69: {  	[sflag:s20] =	ssyncset.done $0x0  }
0x6a: {  	[sflag:s20] =	ssyncadd.s32 $0xFFFFE000  }
0x6b: {  	_ =	sfence.sel $0x180000  }
0x6c: {  	[bflag:$0x0] =	sbarrier.arrive $0xFFFF  }
0x6d: {  	p0 =	sne.s32 s0, $0x0;
	_ =	strace $0x90000047  }
0x6e: {  	s0 =	sadd.s32 @!p0 $0x100000, s2;
	[bflag:$0x2] =	sbarrier.arrive $0xFFFF  }
0x6f: {  	[sflag:s0] =	ssyncadd.tile.s32 @!p0 $0x1;
	_ =	shalt  }
.Lfunc_end2:
_tile_overlayer_lowered:
.L_overlay_start_2:
0x70: {  	(tag) =	ssettag $0x2  }
0x71: {  	s0 =	rddreg [dreg:$0x0];
	s2 =	stileid.u32  }
0x72: {  	s1 =	rddreg [dreg:$0x1];
	p0 =	sne.s32 s2, $0x0  }
0x73: {  	s3 =	rddreg [dreg:$0x2];
	[bflag:$0x3] =	sbarrier.arrive $0xFFFF;
	s2 =	simm.s32 @!p0 $0x1C05  }
0x74: {  	[timem:s3], [sflag:s2] =	dma.local @!p0 [hbm:s0], s1  }
0x75: {  	s0 =	simm.s32 @!p0 $0x5  }
0x76: {  	_ =	swait.ge @!p0 [sflag:s0], s1  }
0x77: {  	s1 =	ssub.s32 @!p0 $0x0, s1;
	[sflag:s0] =	ssyncset.done @!p0 $0x0  }
0x78: {  	[sflag:s0] =	ssyncadd.s32 @!p0 s1  }
0x79: {  	[bflag:$0x3] =	sbarrier.arrive $0xFFFF  }
0x7a: {  	_ =	shalt  }

</sc_bundles>
